<compile_context>
chip_gen: v7x
topology: tpu7x:2x2x1
jax: 0.10.2.dev20260603
libtpu: 0.0.44.dev20260713+nightly
codegen_flags: <defaults>
</compile_context>

<pallas_src>
import functools

import jax
import jax.numpy as jnp
from jax import lax
from jax.experimental import pallas as pl
from jax.experimental.pallas import tpu as pltpu
from jax.experimental.pallas import tpu_sc as plsc

_N_E = 8192
_D = 64
_B = 8
_N = 576
_ROWS = _B * _N

_T = 1024
_CB = _N_E // _T


def _mega(z_ref, emb_ref, idx_ref, oh_ref, ep_ref, perp_ref,
          zn_ref, nzz_ref, bv_ref, bi_ref, bit_ref, cnt_ref,
          riota_ref, ciota_ref, en_ref, ee_ref):
    b = pl.program_id(0)
    k = pl.program_id(1)

    @pl.when((b == 0) & (k == 0))
    def _():
        riota_ref[...] = lax.broadcasted_iota(jnp.int32, (_T, _N), 0)
        ciota_ref[...] = lax.broadcasted_iota(jnp.int32, (_N, _T), 1)

    @pl.when(b == 0)
    def _():
        et = emb_ref[pl.ds(k * _T, _T), :]
        enrm = jnp.sqrt(jnp.sum(et * et, axis=1, keepdims=True))
        en = et / jnp.maximum(enrm, 1e-12)
        en_ref[pl.ds(k * _T, _T), :_D] = en
        en_ref[pl.ds(k * _T, _T), _D:] = jnp.zeros((_T, 128 - _D),
                                                   jnp.float32)
        ee_ref[pl.ds(k * _T, _T), :] = jnp.sum(en * en, axis=1,
                                               keepdims=True)
        ep_ref[...] = en_ref[pl.ds(k * _T, _T), :]

    lidx = bit_ref[...] - k * _T
    oh = (lidx == ciota_ref[...]).astype(jnp.float32)
    oh_ref[...] = oh
    colsum = jnp.sum(oh, axis=0, keepdims=True)

    @pl.when(b == 1)
    def _():
        cnt_ref[pl.ds(k, 1), :] = colsum

    @pl.when(b > 1)
    def _():
        cnt_ref[pl.ds(k, 1), :] = cnt_ref[pl.ds(k, 1), :] + colsum

    @pl.when(k == 0)
    def _():
        zt = z_ref[0]
        znrm = jnp.sqrt(jnp.sum(zt * zt, axis=0, keepdims=True))
        zn = zt / jnp.maximum(znrm, 1e-12)
        nzz_ref[...] = -jnp.sum(zn * zn, axis=0, keepdims=True)
        zn_ref[:_D] = zn + zn
        zn_ref[_D:] = jnp.zeros((128 - _D, _N), jnp.float32)

    en = en_ref[pl.ds(k * _T, _T), :]
    eet = ee_ref[pl.ds(k * _T, _T), :]
    dots2 = jnp.dot(en, zn_ref[...], preferred_element_type=jnp.float32)
    d = (nzz_ref[...] - eet) + dots2

    m = jnp.max(d, axis=0, keepdims=True)
    cand = jnp.max(jnp.where(d == m, riota_ref[...], -1),
                   axis=0, keepdims=True) + k * _T

    @pl.when(k == 0)
    def _():
        bv_ref[...] = m
        bi_ref[...] = cand

    @pl.when(k > 0)
    def _():
        upd = m >= bv_ref[...]
        bv_ref[...] = jnp.where(upd, m, bv_ref[...])
        bi_ref[...] = jnp.where(upd, cand, bi_ref[...])

    @pl.when(k == _CB - 1)
    def _():
        idx_ref[...] = bi_ref[...][None]
        bit_ref[...] = bi_ref[...].T

    @pl.when((b == _B) & (k == _CB - 1))
    def _():
        p = cnt_ref[...] / float(_ROWS)
        terms = p * jnp.log(p + 1e-10)
        s = jnp.sum(terms, axis=(0, 1), keepdims=True)[:1, :1]
        perp_ref[...] = jnp.exp(-s)


def _sc_gather(emb_pad, idx_flat):
    info = plsc.get_sparse_core_info()
    nc, ns = info.num_cores, info.num_subcores
    nw = nc * ns
    bpw = _ROWS // nw
    ch = 72
    nch = bpw // ch
    idx2 = idx_flat.reshape(_ROWS // ch, ch)
    mesh = plsc.VectorSubcoreMesh(core_axis_name="c", subcore_axis_name="s")

    @functools.partial(
        pl.kernel,
        mesh=mesh,
        out_type=jax.ShapeDtypeStruct((_ROWS, 128), jnp.float32),
        scratch_types=[
            pltpu.VMEM((nch, ch), jnp.int32),
            pltpu.VMEM((bpw, 128), jnp.float32),
            pltpu.SemaphoreType.DMA,
        ],
    )
    def gather_k(emb_hbm, idx_hbm, out_hbm, idx_v, rows_v, sem):
        wid = lax.axis_index("s") * nc + lax.axis_index("c")
        base = wid * bpw
        pltpu.sync_copy(idx_hbm.at[pl.ds(wid * nch, nch)], idx_v)
        cps = [
            pltpu.async_copy(
                emb_hbm.at[idx_v.at[j]], rows_v.at[pl.ds(j * ch, ch)], sem
            )
            for j in range(nch)
        ]
        for cp in cps:
            cp.wait()
        pltpu.sync_copy(rows_v, out_hbm.at[pl.ds(base, bpw)])

    return gather_k(emb_pad, idx2)


def kernel(z, embedding):
    idx3, onehot, emb_pad, perp = pl.pallas_call(
        _mega,
        grid=(_B + 1, _CB),
        in_specs=[
            pl.BlockSpec((1, _D, _N), lambda b, k: (jnp.minimum(b, _B - 1), 0, 0)),
            pl.BlockSpec((_N_E, _D), lambda b, k: (0, 0)),
        ],
        out_specs=[
            pl.BlockSpec((1, 1, _N), lambda b, k: (jnp.minimum(b, _B - 1), 0, 0)),
            pl.BlockSpec(
                (_N, _T),
                lambda b, k: (jnp.maximum(b - 1, 0),
                              jnp.where(b == 0, 0, k)),
            ),
            pl.BlockSpec(
                (_T, 128),
                lambda b, k: (jnp.where(b == 0, k, _CB - 1), 0),
            ),
            pl.BlockSpec((1, 1), lambda b, k: (0, 0)),
        ],
        out_shape=[
            jax.ShapeDtypeStruct((_B, 1, _N), jnp.int32),
            jax.ShapeDtypeStruct((_ROWS, _N_E), jnp.float32),
            jax.ShapeDtypeStruct((_N_E, 128), jnp.float32),
            jax.ShapeDtypeStruct((1, 1), jnp.float32),
        ],
        scratch_shapes=[
            pltpu.VMEM((128, _N), jnp.float32),
            pltpu.VMEM((1, _N), jnp.float32),
            pltpu.VMEM((1, _N), jnp.float32),
            pltpu.VMEM((1, _N), jnp.int32),
            pltpu.VMEM((_N, 1), jnp.int32),
            pltpu.VMEM((_CB, _T), jnp.float32),
            pltpu.VMEM((_T, _N), jnp.int32),
            pltpu.VMEM((_N, _T), jnp.int32),
            pltpu.VMEM((_N_E, 128), jnp.float32),
            pltpu.VMEM((_N_E, 1), jnp.float32),
        ],
    )(z, embedding)
    indices = idx3.reshape(_ROWS)

    zq = _sc_gather(emb_pad, indices)[:, :_D]
    quant = zq.reshape(_B, _N, _D).transpose(0, 2, 1)

    zero = jnp.float32(0.0)
    return (quant, zero, zero, zero, zero, perp.reshape(()), onehot, indices)

# --- scband reference (transcript-rebuilt; emitter-appended) ---
"""Pipeline reference for scband-vector-quantizer-25855703122382 (READ-ONLY COPY).

The authoritative reference and input builder live on the scoring server;
editing this copy changes nothing except your own understanding.
"""

import jax, jax.numpy as jnp
import numpy as np

N_E = 8192
E_DIM = 64

def _l2norm(x):
    return x / jnp.clip(jnp.linalg.norm(x, axis=-1, keepdims=True), 1e-12)

def setup_inputs(seed: int = 0) -> dict:
    key = jax.random.key(seed)
    k1, k2 = jax.random.split(key)
    z = jax.random.normal(k1, (8, E_DIM, 576), dtype=jnp.float32)
    emb = jax.random.uniform(k2, (N_E, E_DIM), dtype=jnp.float32, minval=-1.0 / N_E, maxval=1.0 / N_E)
    emb = _l2norm(emb)  # module normalizes codebook at init when l2_norm=True
    return {"z": z, "embedding": emb}

def reference(z, embedding):
    # eval-mode forward of VectorQuantizer (l2_norm=True, show_usage=False)
    z = jnp.transpose(z, (0, 2, 1))  # b c n -> b n c
    z_flat = z.reshape(-1, E_DIM)
    z = _l2norm(z)
    z_flat = _l2norm(z_flat)
    emb = _l2norm(embedding)
    d = (-jnp.sum(z_flat ** 2, axis=1, keepdims=True)
         - jnp.sum(emb ** 2, axis=1)
         + 2.0 * (z_flat @ emb.T))
    indices = jnp.argsort(d, axis=1)[:, -1]  # index of max distance score
    z_q = jnp.take(emb, indices, axis=0).reshape(z.shape)
    # straight-through estimator
    z_q = z + jax.lax.stop_gradient(z_q - z)
    quant = jnp.transpose(z_q, (0, 2, 1))  # b n c -> b c n
    min_encodings = jax.nn.one_hot(indices, N_E, dtype=z.dtype)
    avg_probs = jnp.mean(min_encodings, axis=0)
    perplexity = jnp.exp(-jnp.sum(avg_probs * jnp.log(avg_probs + 1e-10)))
    vq_loss = jnp.float32(0.0)
    commit_loss = jnp.float32(0.0)
    entropy_loss = jnp.float32(0.0)
    codebook_usage = jnp.float32(0.0)
    return (quant, vq_loss, commit_loss, entropy_loss, codebook_usage, perplexity, min_encodings, indices)

if __name__ == "__main__":
    import jax
    _d = setup_inputs()
    print(jax.jit(kernel)(*tuple(_d.values())))

</pallas_src>

<mosaic_0001>
#map = affine_map<(d0, d1) -> (0, 0)>
module attributes {stable_mosaic.version = 14 : i64} {
  func.func @gather_k(%arg0: i32, %arg1: i32, %arg2: memref<8192x128xf32, #tpu.memory_space<hbm>>, %arg3: memref<64x72xi32, #tpu.memory_space<hbm>>, %arg4: memref<4608x128xf32, #tpu.memory_space<hbm>>, %arg5: memref<2x72xi32, #tpu.memory_space<vmem>>, %arg6: memref<144x128xf32, #tpu.memory_space<vmem>>, %arg7: memref<!tpu.dma_semaphore, #tpu.memory_space<semaphore_mem>>) attributes {dimension_semantics = [#tpu.dimension_semantics<core_parallel>, #tpu.dimension_semantics<subcore_parallel>], iteration_bounds = array<i64: 2, 16>, scalar_prefetch = 0 : i64, scratch_operands = 3 : i64, tpu.core_type = #tpu.core_type<sc_vector_subcore>, window_params = [{transform_indices = #map}, {transform_indices = #map}, {transform_indices = #map}]} {
    %mul3A = arith.constant 2 : i32
    %mul3A_0 = arith.muli %arg1, %mul3A : i32
    %add3A = arith.addi %mul3A_0, %arg0 : i32
    %mul3A_1 = arith.constant 144 : i32
    %mul3A_2 = arith.muli %add3A, %mul3A_1 : i32
    %mul3A_3 = arith.constant 2 : i32
    %mul3A_4 = arith.muli %add3A, %mul3A_3 : i32
    "tpu.region"() ({
      %run_scoped3A = tpu.sem_alloc : memref<!tpu.dma_semaphore, #tpu.memory_space<semaphore_mem>>
      %dma_start3A_43 = arith.constant 0 : i32
      %dma_start3A_44 = tpu.memref_slice %arg3[%mul3A_4, %dma_start3A_43] : memref<64x72xi32, #tpu.memory_space<hbm>> -> memref<2x72xi32, #tpu.memory_space<hbm>>
      %dma_start3A_45 = arith.constant 0 : i32
      %dma_start3A_46 = tpu.memref_slice %arg3[%mul3A_4, %dma_start3A_45] : memref<64x72xi32, #tpu.memory_space<hbm>> -> memref<2x72xi32, #tpu.memory_space<hbm>>
      tpu.enqueue_dma source(%dma_start3A_46 : memref<2x72xi32, #tpu.memory_space<hbm>>) target(%arg5 : memref<2x72xi32, #tpu.memory_space<vmem>>) target_semaphore(%run_scoped3A : memref<!tpu.dma_semaphore, #tpu.memory_space<semaphore_mem>>)
      %dma_wait3A_47 = arith.constant 0 : i32
      %dma_wait3A_48 = tpu.memref_slice %arg3[%mul3A_4, %dma_wait3A_47] : memref<64x72xi32, #tpu.memory_space<hbm>> -> memref<2x72xi32, #tpu.memory_space<hbm>>
      %dma_wait3A_49 = arith.constant 0 : i32
      %dma_wait3A_50 = tpu.memref_slice %arg3[%mul3A_4, %dma_wait3A_49] : memref<64x72xi32, #tpu.memory_space<hbm>> -> memref<2x72xi32, #tpu.memory_space<hbm>>
      tpu.wait_dma2 semaphore(%run_scoped3A : memref<!tpu.dma_semaphore, #tpu.memory_space<semaphore_mem>>) src(%dma_wait3A_50 : memref<2x72xi32, #tpu.memory_space<hbm>>) dst(%arg5 : memref<2x72xi32, #tpu.memory_space<vmem>>)
      tpu.yield
    }) : () -> ()
    %dma_start3A = arith.constant 0 : i32
    %dma_start3A_5 = arith.constant 0 : i32
    %dma_start3A_6 = arith.constant 0 : i32
    %dma_start3A_7 = tpu.memref_slice %arg6[%dma_start3A_5, %dma_start3A_6] : memref<144x128xf32, #tpu.memory_space<vmem>> -> memref<72x128xf32, #tpu.memory_space<vmem>>
    %dma_start3A_8 = arith.constant 0 : i32
    %dma_start3A_9 = tpu.memref_slice %arg5[%dma_start3A, %dma_start3A_8] : memref<2x72xi32, #tpu.memory_space<vmem>> -> memref<1x72xi32, #tpu.memory_space<vmem>>
    %dma_start3A_10 = tpu.memref_squeeze %dma_start3A_9 : memref<1x72xi32, #tpu.memory_space<vmem>> -> memref<72xi32, #tpu.memory_space<vmem>>
    %dma_start3A_11 = arith.constant 0 : i32
    %dma_start3A_12 = arith.constant 0 : i32
    %dma_start3A_13 = tpu.memref_slice %arg2[%dma_start3A_11, %dma_start3A_12] : memref<8192x128xf32, #tpu.memory_space<hbm>> -> memref<8192x128xf32, #tpu.memory_space<hbm>>
    tpu.enqueue_indirect_dma source(%dma_start3A_13 : memref<8192x128xf32, #tpu.memory_space<hbm>>) target(%dma_start3A_7 : memref<72x128xf32, #tpu.memory_space<vmem>>) offsets(%dma_start3A_10 : memref<72xi32, #tpu.memory_space<vmem>>) semaphore(%arg7 : memref<!tpu.dma_semaphore, #tpu.memory_space<semaphore_mem>>)
    %dma_start3A_14 = arith.constant 1 : i32
    %dma_start3A_15 = arith.constant 72 : i32
    %dma_start3A_16 = arith.constant 0 : i32
    %dma_start3A_17 = tpu.memref_slice %arg6[%dma_start3A_15, %dma_start3A_16] : memref<144x128xf32, #tpu.memory_space<vmem>> -> memref<72x128xf32, #tpu.memory_space<vmem>>
    %dma_start3A_18 = arith.constant 0 : i32
    %dma_start3A_19 = tpu.memref_slice %arg5[%dma_start3A_14, %dma_start3A_18] : memref<2x72xi32, #tpu.memory_space<vmem>> -> memref<1x72xi32, #tpu.memory_space<vmem>>
    %dma_start3A_20 = tpu.memref_squeeze %dma_start3A_19 : memref<1x72xi32, #tpu.memory_space<vmem>> -> memref<72xi32, #tpu.memory_space<vmem>>
    %dma_start3A_21 = arith.constant 0 : i32
    %dma_start3A_22 = arith.constant 0 : i32
    %dma_start3A_23 = tpu.memref_slice %arg2[%dma_start3A_21, %dma_start3A_22] : memref<8192x128xf32, #tpu.memory_space<hbm>> -> memref<8192x128xf32, #tpu.memory_space<hbm>>
    tpu.enqueue_indirect_dma source(%dma_start3A_23 : memref<8192x128xf32, #tpu.memory_space<hbm>>) target(%dma_start3A_17 : memref<72x128xf32, #tpu.memory_space<vmem>>) offsets(%dma_start3A_20 : memref<72xi32, #tpu.memory_space<vmem>>) semaphore(%arg7 : memref<!tpu.dma_semaphore, #tpu.memory_space<semaphore_mem>>)
    %dma_wait3A = arith.constant 0 : i32
    %dma_wait3A_24 = arith.constant 0 : i32
    %dma_wait3A_25 = arith.constant 0 : i32
    %dma_wait3A_26 = tpu.memref_slice %arg6[%dma_wait3A_24, %dma_wait3A_25] : memref<144x128xf32, #tpu.memory_space<vmem>> -> memref<72x128xf32, #tpu.memory_space<vmem>>
    %dma_wait3A_27 = arith.constant 0 : i32
    %dma_wait3A_28 = tpu.memref_slice %arg5[%dma_wait3A, %dma_wait3A_27] : memref<2x72xi32, #tpu.memory_space<vmem>> -> memref<1x72xi32, #tpu.memory_space<vmem>>
    %dma_wait3A_29 = tpu.memref_squeeze %dma_wait3A_28 : memref<1x72xi32, #tpu.memory_space<vmem>> -> memref<72xi32, #tpu.memory_space<vmem>>
    %dma_wait3A_30 = arith.constant 0 : i32
    %dma_wait3A_31 = arith.constant 0 : i32
    %dma_wait3A_32 = tpu.memref_slice %arg2[%dma_wait3A_30, %dma_wait3A_31] : memref<8192x128xf32, #tpu.memory_space<hbm>> -> memref<8192x128xf32, #tpu.memory_space<hbm>>
    tpu.wait_indirect_dma semaphore(%arg7 : memref<!tpu.dma_semaphore, #tpu.memory_space<semaphore_mem>>) src(%dma_wait3A_32 : memref<8192x128xf32, #tpu.memory_space<hbm>>) dst(%dma_wait3A_26 : memref<72x128xf32, #tpu.memory_space<vmem>>)
    %dma_wait3A_33 = arith.constant 1 : i32
    %dma_wait3A_34 = arith.constant 72 : i32
    %dma_wait3A_35 = arith.constant 0 : i32
    %dma_wait3A_36 = tpu.memref_slice %arg6[%dma_wait3A_34, %dma_wait3A_35] : memref<144x128xf32, #tpu.memory_space<vmem>> -> memref<72x128xf32, #tpu.memory_space<vmem>>
    %dma_wait3A_37 = arith.constant 0 : i32
    %dma_wait3A_38 = tpu.memref_slice %arg5[%dma_wait3A_33, %dma_wait3A_37] : memref<2x72xi32, #tpu.memory_space<vmem>> -> memref<1x72xi32, #tpu.memory_space<vmem>>
    %dma_wait3A_39 = tpu.memref_squeeze %dma_wait3A_38 : memref<1x72xi32, #tpu.memory_space<vmem>> -> memref<72xi32, #tpu.memory_space<vmem>>
    %dma_wait3A_40 = arith.constant 0 : i32
    %dma_wait3A_41 = arith.constant 0 : i32
    %dma_wait3A_42 = tpu.memref_slice %arg2[%dma_wait3A_40, %dma_wait3A_41] : memref<8192x128xf32, #tpu.memory_space<hbm>> -> memref<8192x128xf32, #tpu.memory_space<hbm>>
    tpu.wait_indirect_dma semaphore(%arg7 : memref<!tpu.dma_semaphore, #tpu.memory_space<semaphore_mem>>) src(%dma_wait3A_42 : memref<8192x128xf32, #tpu.memory_space<hbm>>) dst(%dma_wait3A_36 : memref<72x128xf32, #tpu.memory_space<vmem>>)
    "tpu.region"() ({
      %run_scoped3A = tpu.sem_alloc : memref<!tpu.dma_semaphore, #tpu.memory_space<semaphore_mem>>
      %dma_start3A_43 = arith.constant 0 : i32
      %dma_start3A_44 = tpu.memref_slice %arg4[%mul3A_2, %dma_start3A_43] : memref<4608x128xf32, #tpu.memory_space<hbm>> -> memref<144x128xf32, #tpu.memory_space<hbm>>
      %dma_start3A_45 = arith.constant 0 : i32
      %dma_start3A_46 = tpu.memref_slice %arg4[%mul3A_2, %dma_start3A_45] : memref<4608x128xf32, #tpu.memory_space<hbm>> -> memref<144x128xf32, #tpu.memory_space<hbm>>
      tpu.enqueue_dma source(%arg6 : memref<144x128xf32, #tpu.memory_space<vmem>>) target(%dma_start3A_46 : memref<144x128xf32, #tpu.memory_space<hbm>>) target_semaphore(%run_scoped3A : memref<!tpu.dma_semaphore, #tpu.memory_space<semaphore_mem>>)
      %dma_wait3A_47 = arith.constant 0 : i32
      %dma_wait3A_48 = tpu.memref_slice %arg4[%mul3A_2, %dma_wait3A_47] : memref<4608x128xf32, #tpu.memory_space<hbm>> -> memref<144x128xf32, #tpu.memory_space<hbm>>
      %dma_wait3A_49 = arith.constant 0 : i32
      %dma_wait3A_50 = tpu.memref_slice %arg4[%mul3A_2, %dma_wait3A_49] : memref<4608x128xf32, #tpu.memory_space<hbm>> -> memref<144x128xf32, #tpu.memory_space<hbm>>
      tpu.wait_dma2 semaphore(%run_scoped3A : memref<!tpu.dma_semaphore, #tpu.memory_space<semaphore_mem>>) src(%arg6 : memref<144x128xf32, #tpu.memory_space<vmem>>) dst(%dma_wait3A_50 : memref<144x128xf32, #tpu.memory_space<hbm>>)
      tpu.yield
    }) : () -> ()
    return
  }
}

module attributes {stable_mosaic.version = 14 : i64} {
  func.func @_mega(%arg0: i32, %arg1: i32, %arg2: memref<1x64x576xf32, #tpu.memory_space<vmem>>, %arg3: memref<8192x64xf32, #tpu.memory_space<vmem>>, %arg4: memref<1x1x576xi32, #tpu.memory_space<vmem>>, %arg5: memref<576x1024xf32, #tpu.memory_space<vmem>>, %arg6: memref<1024x128xf32, #tpu.memory_space<vmem>>, %arg7: memref<1x1xf32, #tpu.memory_space<vmem>>, %arg8: memref<128x576xf32, #tpu.memory_space<vmem>>, %arg9: memref<1x576xf32, #tpu.memory_space<vmem>>, %arg10: memref<1x576xf32, #tpu.memory_space<vmem>>, %arg11: memref<1x576xi32, #tpu.memory_space<vmem>>, %arg12: memref<576x1xi32, #tpu.memory_space<vmem>>, %arg13: memref<8x1024xf32, #tpu.memory_space<vmem>>, %arg14: memref<1024x576xi32, #tpu.memory_space<vmem>>, %arg15: memref<576x1024xi32, #tpu.memory_space<vmem>>, %arg16: memref<8192x128xf32, #tpu.memory_space<vmem>>, %arg17: memref<8192x1xf32, #tpu.memory_space<vmem>>) attributes {dimension_semantics = [#tpu.dimension_semantics<arbitrary>, #tpu.dimension_semantics<arbitrary>], iteration_bounds = array<i64: 9, 8>, scalar_prefetch = 0 : i64, scratch_operands = 10 : i64, tpu.core_type = #tpu.core_type<tc>, window_params = [{transform_indices = @transform_0, window_bounds = array<i64: 1, 64, 576>}, {pipeline_mode = #tpu.pipeline_mode<synchronous>, transform_indices = @transform_1, window_bounds = array<i64: 8192, 64>}, {transform_indices = @transform_2, window_bounds = array<i64: 1, 1, 576>}, {transform_indices = @transform_3, window_bounds = array<i64: 576, 1024>}, {transform_indices = @transform_4, window_bounds = array<i64: 1024, 128>}, {pipeline_mode = #tpu.pipeline_mode<synchronous>, transform_indices = @transform_5, window_bounds = array<i64: 1, 1>}]} {
    %eq3A = arith.constant 0 : i32
    %eq3A_0 = arith.cmpi eq, %arg0, %eq3A : i32
    %eq3A_1 = arith.constant 0 : i32
    %eq3A_2 = arith.cmpi eq, %arg1, %eq3A_1 : i32
    %and3A = arith.andi %eq3A_0, %eq3A_2 : i1
    %convert_element_type3A = arith.extui %and3A : i1 to i32
    %cond3A = arith.constant 0 : i32
    %cond3A_3 = arith.cmpi ne, %convert_element_type3A, %cond3A : i32
    scf.if %cond3A_3 {
      %iota3A = tpu.iota {dimensions = array<i32: 0>} : vector<1024x576xi32>
      %swap3A_95 = arith.constant 0 : index
      %swap3A_96 = arith.constant 0 : index
      %swap3A_97 = vector.load %arg14[%swap3A_95, %swap3A_96] : memref<1024x576xi32, #tpu.memory_space<vmem>>, vector<1024x576xi32>
      tpu.vector_store %arg14[%swap3A_95, %swap3A_96], %iota3A {strides = array<i32>} : memref<1024x576xi32, #tpu.memory_space<vmem>>, vector<1024x576xi32>,
      %iota3A_98 = tpu.iota {dimensions = array<i32: 1>} : vector<576x1024xi32>
      %swap3A_99 = arith.constant 0 : index
      %swap3A_100 = arith.constant 0 : index
      %swap3A_101 = vector.load %arg15[%swap3A_99, %swap3A_100] : memref<576x1024xi32, #tpu.memory_space<vmem>>, vector<576x1024xi32>
      tpu.vector_store %arg15[%swap3A_99, %swap3A_100], %iota3A_98 {strides = array<i32>} : memref<576x1024xi32, #tpu.memory_space<vmem>>, vector<576x1024xi32>,
    } else {
    }
    %eq3A_4 = arith.constant 0 : i32
    %eq3A_5 = arith.cmpi eq, %arg0, %eq3A_4 : i32
    %convert_element_type3A_6 = arith.extui %eq3A_5 : i1 to i32
    %cond3A_7 = arith.constant 0 : i32
    %cond3A_8 = arith.cmpi ne, %convert_element_type3A_6, %cond3A_7 : i32
    scf.if %cond3A_8 {
      %mul3A_95 = arith.constant 1024 : i32
      %mul3A_96 = arith.muli %arg1, %mul3A_95 : i32
      %get3A_97 = arith.index_cast %mul3A_96 : i32 to index
      %get3A_98 = arith.constant 0 : index
      %get3A_99 = vector.load %arg3[%get3A_97, %get3A_98] : memref<8192x64xf32, #tpu.memory_space<vmem>>, vector<1024x64xf32>
      %mul3A_100 = arith.mulf %get3A_99, %get3A_99 : vector<1024x64xf32>
      %reduce_sum3A_101 = arith.constant dense<0.000000e+00> : vector<1024xf32>
      %reduce_sum3A_102 = vector.multi_reduction <add>, %mul3A_100, %reduce_sum3A_101 [1] : vector<1024x64xf32> to vector<1024xf32>
      %broadcast_in_dim3A_103 = vector.shape_cast %reduce_sum3A_102 : vector<1024xf32> to vector<1024x1xf32>
      %sqrt3A = math.sqrt %broadcast_in_dim3A_103 : vector<1024x1xf32>
      %max3A = arith.constant 9.99999996E-13 : f32
      %max3A_104 = vector.broadcast %max3A : f32 to vector<1024x1xf32>
      %max3A_105 = arith.maximumf %sqrt3A, %max3A_104 : vector<1024x1xf32>
      %div3A = vector.broadcast %max3A_105 : vector<1024x1xf32> to vector<1024x64xf32>
      %div3A_106 = arith.divf %get3A_99, %div3A : vector<1024x64xf32>
      %mul3A_107 = arith.constant 1024 : i32
      %mul3A_108 = arith.muli %arg1, %mul3A_107 : i32
      %swap3A_109 = arith.index_cast %mul3A_108 : i32 to index
      %swap3A_110 = arith.constant 0 : index
      %swap3A_111 = vector.load %arg16[%swap3A_109, %swap3A_110] : memref<8192x128xf32, #tpu.memory_space<vmem>>, vector<1024x64xf32>
      tpu.vector_store %arg16[%swap3A_109, %swap3A_110], %div3A_106 {strides = array<i32>} : memref<8192x128xf32, #tpu.memory_space<vmem>>, vector<1024x64xf32>,
      %broadcast_in_dim3A_112 = arith.constant 0.000000e+00 : f32
      %broadcast_in_dim3A_113 = vector.broadcast %broadcast_in_dim3A_112 : f32 to vector<1024x64xf32>
      %mul3A_114 = arith.constant 1024 : i32
      %mul3A_115 = arith.muli %arg1, %mul3A_114 : i32
      %swap3A_116 = arith.index_cast %mul3A_115 : i32 to index
      %swap3A_117 = arith.constant 64 : index
      %swap3A_118 = vector.load %arg16[%swap3A_116, %swap3A_117] : memref<8192x128xf32, #tpu.memory_space<vmem>>, vector<1024x64xf32>
      tpu.vector_store %arg16[%swap3A_116, %swap3A_117], %broadcast_in_dim3A_113 {strides = array<i32>} : memref<8192x128xf32, #tpu.memory_space<vmem>>, vector<1024x64xf32>,
      %mul3A_119 = arith.mulf %div3A_106, %div3A_106 : vector<1024x64xf32>
      %reduce_sum3A_120 = arith.constant dense<0.000000e+00> : vector<1024xf32>
      %reduce_sum3A_121 = vector.multi_reduction <add>, %mul3A_119, %reduce_sum3A_120 [1] : vector<1024x64xf32> to vector<1024xf32>
      %broadcast_in_dim3A_122 = vector.shape_cast %reduce_sum3A_121 : vector<1024xf32> to vector<1024x1xf32>
      %mul3A_123 = arith.constant 1024 : i32
      %mul3A_124 = arith.muli %arg1, %mul3A_123 : i32
      %swap3A_125 = arith.index_cast %mul3A_124 : i32 to index
      %swap3A_126 = arith.constant 0 : index
      %swap3A_127 = vector.load %arg17[%swap3A_125, %swap3A_126] : memref<8192x1xf32, #tpu.memory_space<vmem>>, vector<1024x1xf32>
      tpu.vector_store %arg17[%swap3A_125, %swap3A_126], %broadcast_in_dim3A_122 {strides = array<i32>} : memref<8192x1xf32, #tpu.memory_space<vmem>>, vector<1024x1xf32>,
      %mul3A_128 = arith.constant 1024 : i32
      %mul3A_129 = arith.muli %arg1, %mul3A_128 : i32
      %get3A_130 = arith.index_cast %mul3A_129 : i32 to index
      %get3A_131 = arith.constant 0 : index
      %get3A_132 = vector.load %arg16[%get3A_130, %get3A_131] : memref<8192x128xf32, #tpu.memory_space<vmem>>, vector<1024x128xf32>
      %swap3A_133 = arith.constant 0 : index
      %swap3A_134 = arith.constant 0 : index
      %swap3A_135 = vector.load %arg6[%swap3A_133, %swap3A_134] : memref<1024x128xf32, #tpu.memory_space<vmem>>, vector<1024x128xf32>
      tpu.vector_store %arg6[%swap3A_133, %swap3A_134], %get3A_132 {strides = array<i32>} : memref<1024x128xf32, #tpu.memory_space<vmem>>, vector<1024x128xf32>,
    } else {
    }
    %get3A = arith.constant 0 : index
    %get3A_9 = arith.constant 0 : index
    %get3A_10 = vector.load %arg12[%get3A, %get3A_9] : memref<576x1xi32, #tpu.memory_space<vmem>>, vector<576x1xi32>
    %mul3A = arith.constant 1024 : i32
    %mul3A_11 = arith.muli %arg1, %mul3A : i32
    %sub3A = vector.broadcast %mul3A_11 : i32 to vector<576x1xi32>
    %sub3A_12 = arith.subi %get3A_10, %sub3A : vector<576x1xi32>
    %get3A_13 = arith.constant 0 : index
    %get3A_14 = arith.constant 0 : index
    %get3A_15 = vector.load %arg15[%get3A_13, %get3A_14] : memref<576x1024xi32, #tpu.memory_space<vmem>>, vector<576x1024xi32>
    %eq3A_16 = vector.broadcast %sub3A_12 : vector<576x1xi32> to vector<576x1024xi32>
    %eq3A_17 = arith.cmpi eq, %eq3A_16, %get3A_15 : vector<576x1024xi32>
    %convert_element_type3A_18 = arith.extui %eq3A_17 : vector<576x1024xi1> to vector<576x1024xi32>
    %convert_element_type3A_19 = arith.sitofp %convert_element_type3A_18 : vector<576x1024xi32> to vector<576x1024xf32>
    %swap3A = arith.constant 0 : index
    %swap3A_20 = arith.constant 0 : index
    %swap3A_21 = vector.load %arg5[%swap3A, %swap3A_20] : memref<576x1024xf32, #tpu.memory_space<vmem>>, vector<576x1024xf32>
    tpu.vector_store %arg5[%swap3A, %swap3A_20], %convert_element_type3A_19 {strides = array<i32>} : memref<576x1024xf32, #tpu.memory_space<vmem>>, vector<576x1024xf32>,
    %reduce_sum3A = arith.constant dense<0.000000e+00> : vector<1024xf32>
    %reduce_sum3A_22 = vector.multi_reduction <add>, %convert_element_type3A_19, %reduce_sum3A [0] : vector<576x1024xf32> to vector<1024xf32>
    %broadcast_in_dim3A = vector.shape_cast %reduce_sum3A_22 : vector<1024xf32> to vector<1x1024xf32>
    %eq3A_23 = arith.constant 1 : i32
    %eq3A_24 = arith.cmpi eq, %arg0, %eq3A_23 : i32
    %convert_element_type3A_25 = arith.extui %eq3A_24 : i1 to i32
    %cond3A_26 = arith.constant 0 : i32
    %cond3A_27 = arith.cmpi ne, %convert_element_type3A_25, %cond3A_26 : i32
    scf.if %cond3A_27 {
      %swap3A_95 = arith.index_cast %arg1 : i32 to index
      %swap3A_96 = arith.constant 0 : index
      %swap3A_97 = vector.load %arg13[%swap3A_95, %swap3A_96] : memref<8x1024xf32, #tpu.memory_space<vmem>>, vector<1x1024xf32>
      tpu.vector_store %arg13[%swap3A_95, %swap3A_96], %broadcast_in_dim3A {strides = array<i32>} : memref<8x1024xf32, #tpu.memory_space<vmem>>, vector<1x1024xf32>,
    } else {
    }
    %gt3A = arith.constant 1 : i32
    %gt3A_28 = arith.cmpi sgt, %arg0, %gt3A : i32
    %convert_element_type3A_29 = arith.extui %gt3A_28 : i1 to i32
    %cond3A_30 = arith.constant 0 : i32
    %cond3A_31 = arith.cmpi ne, %convert_element_type3A_29, %cond3A_30 : i32
    scf.if %cond3A_31 {
      %get3A_95 = arith.index_cast %arg1 : i32 to index
      %get3A_96 = arith.constant 0 : index
      %get3A_97 = vector.load %arg13[%get3A_95, %get3A_96] : memref<8x1024xf32, #tpu.memory_space<vmem>>, vector<1x1024xf32>
      %add3A_98 = arith.addf %get3A_97, %broadcast_in_dim3A : vector<1x1024xf32>
      %swap3A_99 = arith.index_cast %arg1 : i32 to index
      %swap3A_100 = arith.constant 0 : index
      %swap3A_101 = vector.load %arg13[%swap3A_99, %swap3A_100] : memref<8x1024xf32, #tpu.memory_space<vmem>>, vector<1x1024xf32>
      tpu.vector_store %arg13[%swap3A_99, %swap3A_100], %add3A_98 {strides = array<i32>} : memref<8x1024xf32, #tpu.memory_space<vmem>>, vector<1x1024xf32>,
    } else {
    }
    %eq3A_32 = arith.constant 0 : i32
    %eq3A_33 = arith.cmpi eq, %arg1, %eq3A_32 : i32
    %convert_element_type3A_34 = arith.extui %eq3A_33 : i1 to i32
    %cond3A_35 = arith.constant 0 : i32
    %cond3A_36 = arith.cmpi ne, %convert_element_type3A_34, %cond3A_35 : i32
    scf.if %cond3A_36 {
      %get3A_95 = arith.constant 0 : index
      %get3A_96 = arith.constant 0 : index
      %get3A_97 = arith.constant 0 : index
      %get3A_98 = vector.load %arg2[%get3A_95, %get3A_96, %get3A_97] : memref<1x64x576xf32, #tpu.memory_space<vmem>>, vector<1x64x576xf32>
      %get3A_99 = vector.shape_cast %get3A_98 : vector<1x64x576xf32> to vector<64x576xf32>
      %mul3A_100 = arith.mulf %get3A_99, %get3A_99 : vector<64x576xf32>
      %reduce_sum3A_101 = arith.constant dense<0.000000e+00> : vector<576xf32>
      %reduce_sum3A_102 = vector.multi_reduction <add>, %mul3A_100, %reduce_sum3A_101 [0] : vector<64x576xf32> to vector<576xf32>
      %broadcast_in_dim3A_103 = vector.shape_cast %reduce_sum3A_102 : vector<576xf32> to vector<1x576xf32>
      %sqrt3A = math.sqrt %broadcast_in_dim3A_103 : vector<1x576xf32>
      %max3A = arith.constant 9.99999996E-13 : f32
      %max3A_104 = vector.broadcast %max3A : f32 to vector<1x576xf32>
      %max3A_105 = arith.maximumf %sqrt3A, %max3A_104 : vector<1x576xf32>
      %div3A = vector.broadcast %max3A_105 : vector<1x576xf32> to vector<64x576xf32>
      %div3A_106 = arith.divf %get3A_99, %div3A : vector<64x576xf32>
      %mul3A_107 = arith.mulf %div3A_106, %div3A_106 : vector<64x576xf32>
      %reduce_sum3A_108 = arith.constant dense<0.000000e+00> : vector<576xf32>
      %reduce_sum3A_109 = vector.multi_reduction <add>, %mul3A_107, %reduce_sum3A_108 [0] : vector<64x576xf32> to vector<576xf32>
      %broadcast_in_dim3A_110 = vector.shape_cast %reduce_sum3A_109 : vector<576xf32> to vector<1x576xf32>
      %neg3A = arith.constant 0.000000e+00 : f32
      %neg3A_111 = vector.broadcast %neg3A : f32 to vector<1x576xf32>
      %neg3A_112 = arith.subf %neg3A_111, %broadcast_in_dim3A_110 : vector<1x576xf32>
      %swap3A_113 = arith.constant 0 : index
      %swap3A_114 = arith.constant 0 : index
      %swap3A_115 = vector.load %arg9[%swap3A_113, %swap3A_114] : memref<1x576xf32, #tpu.memory_space<vmem>>, vector<1x576xf32>
      tpu.vector_store %arg9[%swap3A_113, %swap3A_114], %neg3A_112 {strides = array<i32>} : memref<1x576xf32, #tpu.memory_space<vmem>>, vector<1x576xf32>,
      %add3A_116 = arith.addf %div3A_106, %div3A_106 : vector<64x576xf32>
      %swap3A_117 = arith.constant 0 : index
      %swap3A_118 = arith.constant 0 : index
      %swap3A_119 = vector.load %arg8[%swap3A_117, %swap3A_118] : memref<128x576xf32, #tpu.memory_space<vmem>>, vector<64x576xf32>
      tpu.vector_store %arg8[%swap3A_117, %swap3A_118], %add3A_116 {strides = array<i32>} : memref<128x576xf32, #tpu.memory_space<vmem>>, vector<64x576xf32>,
      %broadcast_in_dim3A_120 = arith.constant 0.000000e+00 : f32
      %broadcast_in_dim3A_121 = vector.broadcast %broadcast_in_dim3A_120 : f32 to vector<64x576xf32>
      %swap3A_122 = arith.constant 64 : index
      %swap3A_123 = arith.constant 0 : index
      %swap3A_124 = vector.load %arg8[%swap3A_122, %swap3A_123] : memref<128x576xf32, #tpu.memory_space<vmem>>, vector<64x576xf32>
      tpu.vector_store %arg8[%swap3A_122, %swap3A_123], %broadcast_in_dim3A_121 {strides = array<i32>} : memref<128x576xf32, #tpu.memory_space<vmem>>, vector<64x576xf32>,
    } else {
    }
    %mul3A_37 = arith.constant 1024 : i32
    %mul3A_38 = arith.muli %arg1, %mul3A_37 : i32
    %get3A_39 = arith.index_cast %mul3A_38 : i32 to index
    %get3A_40 = arith.constant 0 : index
    %get3A_41 = vector.load %arg16[%get3A_39, %get3A_40] : memref<8192x128xf32, #tpu.memory_space<vmem>>, vector<1024x128xf32>
    %mul3A_42 = arith.constant 1024 : i32
    %mul3A_43 = arith.muli %arg1, %mul3A_42 : i32
    %get3A_44 = arith.index_cast %mul3A_43 : i32 to index
    %get3A_45 = arith.constant 0 : index
    %get3A_46 = vector.load %arg17[%get3A_44, %get3A_45] : memref<8192x1xf32, #tpu.memory_space<vmem>>, vector<1024x1xf32>
    %get3A_47 = arith.constant 0 : index
    %get3A_48 = arith.constant 0 : index
    %get3A_49 = vector.load %arg8[%get3A_47, %get3A_48] : memref<128x576xf32, #tpu.memory_space<vmem>>, vector<128x576xf32>
    %dot_general3A = arith.constant dense<0.000000e+00> : vector<1024x576xf32>
    %dot_general3A_50 = tpu.matmul %get3A_41, %get3A_49, %dot_general3A {dimension_numbers = #tpu.dot_dimension_numbers<[1], [0], [0], [1], [0, 0, 1, 1], [], []>, transpose_lhs_hint = false} : vector<1024x128xf32>, vector<128x576xf32>, vector<1024x576xf32> -> vector<1024x576xf32>
    %get3A_51 = arith.constant 0 : index
    %get3A_52 = arith.constant 0 : index
    %get3A_53 = vector.load %arg9[%get3A_51, %get3A_52] : memref<1x576xf32, #tpu.memory_space<vmem>>, vector<1x576xf32>
    %sub3A_54 = vector.broadcast %get3A_53 : vector<1x576xf32> to vector<1024x576xf32>
    %sub3A_55 = vector.broadcast %get3A_46 : vector<1024x1xf32> to vector<1024x576xf32>
    %sub3A_56 = arith.subf %sub3A_54, %sub3A_55 : vector<1024x576xf32>
    %add3A = arith.addf %sub3A_56, %dot_general3A_50 : vector<1024x576xf32>
    %reduce_max3A = arith.constant dense<0xFF800000> : vector<576xf32>
    %reduce_max3A_57 = vector.multi_reduction <maximumf>, %add3A, %reduce_max3A [0] : vector<1024x576xf32> to vector<576xf32>
    %broadcast_in_dim3A_58 = vector.shape_cast %reduce_max3A_57 : vector<576xf32> to vector<1x576xf32>
    %eq3A_59 = vector.broadcast %broadcast_in_dim3A_58 : vector<1x576xf32> to vector<1024x576xf32>
    %eq3A_60 = arith.cmpf oeq, %add3A, %eq3A_59 : vector<1024x576xf32>
    %get3A_61 = arith.constant 0 : index
    %get3A_62 = arith.constant 0 : index
    %get3A_63 = vector.load %arg14[%get3A_61, %get3A_62] : memref<1024x576xi32, #tpu.memory_space<vmem>>, vector<1024x576xi32>
    %jit3A = arith.constant -1 : i32
    %broadcast_in_dim3A_64 = vector.broadcast %jit3A : i32 to vector<1024x576xi32>
    %select_n3A = arith.select %eq3A_60, %get3A_63, %broadcast_in_dim3A_64 : vector<1024x576xi1>, vector<1024x576xi32>
    %reduce_max3A_65 = arith.constant dense<-2147483648> : vector<576xi32>
    %reduce_max3A_66 = vector.multi_reduction <maxsi>, %select_n3A, %reduce_max3A_65 [0] : vector<1024x576xi32> to vector<576xi32>
    %broadcast_in_dim3A_67 = vector.shape_cast %reduce_max3A_66 : vector<576xi32> to vector<1x576xi32>
    %mul3A_68 = arith.constant 1024 : i32
    %mul3A_69 = arith.muli %arg1, %mul3A_68 : i32
    %add3A_70 = vector.broadcast %mul3A_69 : i32 to vector<1x576xi32>
    %add3A_71 = arith.addi %broadcast_in_dim3A_67, %add3A_70 : vector<1x576xi32>
    %eq3A_72 = arith.constant 0 : i32
    %eq3A_73 = arith.cmpi eq, %arg1, %eq3A_72 : i32
    %convert_element_type3A_74 = arith.extui %eq3A_73 : i1 to i32
    %cond3A_75 = arith.constant 0 : i32
    %cond3A_76 = arith.cmpi ne, %convert_element_type3A_74, %cond3A_75 : i32
    scf.if %cond3A_76 {
      %swap3A_95 = arith.constant 0 : index
      %swap3A_96 = arith.constant 0 : index
      %swap3A_97 = vector.load %arg10[%swap3A_95, %swap3A_96] : memref<1x576xf32, #tpu.memory_space<vmem>>, vector<1x576xf32>
      tpu.vector_store %arg10[%swap3A_95, %swap3A_96], %broadcast_in_dim3A_58 {strides = array<i32>} : memref<1x576xf32, #tpu.memory_space<vmem>>, vector<1x576xf32>,
      %swap3A_98 = arith.constant 0 : index
      %swap3A_99 = arith.constant 0 : index
      %swap3A_100 = vector.load %arg11[%swap3A_98, %swap3A_99] : memref<1x576xi32, #tpu.memory_space<vmem>>, vector<1x576xi32>
      tpu.vector_store %arg11[%swap3A_98, %swap3A_99], %add3A_71 {strides = array<i32>} : memref<1x576xi32, #tpu.memory_space<vmem>>, vector<1x576xi32>,
    } else {
    }
    %gt3A_77 = arith.constant 0 : i32
    %gt3A_78 = arith.cmpi sgt, %arg1, %gt3A_77 : i32
    %convert_element_type3A_79 = arith.extui %gt3A_78 : i1 to i32
    %cond3A_80 = arith.constant 0 : i32
    %cond3A_81 = arith.cmpi ne, %convert_element_type3A_79, %cond3A_80 : i32
    scf.if %cond3A_81 {
      %get3A_95 = arith.constant 0 : index
      %get3A_96 = arith.constant 0 : index
      %get3A_97 = vector.load %arg10[%get3A_95, %get3A_96] : memref<1x576xf32, #tpu.memory_space<vmem>>, vector<1x576xf32>
      %ge3A = arith.cmpf oge, %broadcast_in_dim3A_58, %get3A_97 : vector<1x576xf32>
      %get3A_98 = arith.constant 0 : index
      %get3A_99 = arith.constant 0 : index
      %get3A_100 = vector.load %arg10[%get3A_98, %get3A_99] : memref<1x576xf32, #tpu.memory_space<vmem>>, vector<1x576xf32>
      %select_n3A_101 = arith.select %ge3A, %broadcast_in_dim3A_58, %get3A_100 : vector<1x576xi1>, vector<1x576xf32>
      %swap3A_102 = arith.constant 0 : index
      %swap3A_103 = arith.constant 0 : index
      %swap3A_104 = vector.load %arg10[%swap3A_102, %swap3A_103] : memref<1x576xf32, #tpu.memory_space<vmem>>, vector<1x576xf32>
      tpu.vector_store %arg10[%swap3A_102, %swap3A_103], %select_n3A_101 {strides = array<i32>} : memref<1x576xf32, #tpu.memory_space<vmem>>, vector<1x576xf32>,
      %get3A_105 = arith.constant 0 : index
      %get3A_106 = arith.constant 0 : index
      %get3A_107 = vector.load %arg11[%get3A_105, %get3A_106] : memref<1x576xi32, #tpu.memory_space<vmem>>, vector<1x576xi32>
      %select_n3A_108 = arith.select %ge3A, %add3A_71, %get3A_107 : vector<1x576xi1>, vector<1x576xi32>
      %swap3A_109 = arith.constant 0 : index
      %swap3A_110 = arith.constant 0 : index
      %swap3A_111 = vector.load %arg11[%swap3A_109, %swap3A_110] : memref<1x576xi32, #tpu.memory_space<vmem>>, vector<1x576xi32>
      tpu.vector_store %arg11[%swap3A_109, %swap3A_110], %select_n3A_108 {strides = array<i32>} : memref<1x576xi32, #tpu.memory_space<vmem>>, vector<1x576xi32>,
    } else {
    }
    %eq3A_82 = arith.constant 7 : i32
    %eq3A_83 = arith.cmpi eq, %arg1, %eq3A_82 : i32
    %convert_element_type3A_84 = arith.extui %eq3A_83 : i1 to i32
    %cond3A_85 = arith.constant 0 : i32
    %cond3A_86 = arith.cmpi ne, %convert_element_type3A_84, %cond3A_85 : i32
    scf.if %cond3A_86 {
      %get3A_95 = arith.constant 0 : index
      %get3A_96 = arith.constant 0 : index
      %get3A_97 = vector.load %arg11[%get3A_95, %get3A_96] : memref<1x576xi32, #tpu.memory_space<vmem>>, vector<1x576xi32>
      %broadcast_in_dim3A_98 = vector.shape_cast %get3A_97 : vector<1x576xi32> to vector<1x1x576xi32>
      %swap3A_99 = arith.constant 0 : index
      %swap3A_100 = arith.constant 0 : index
      %swap3A_101 = arith.constant 0 : index
      %swap3A_102 = vector.load %arg4[%swap3A_99, %swap3A_100, %swap3A_101] : memref<1x1x576xi32, #tpu.memory_space<vmem>>, vector<1x1x576xi32>
      tpu.vector_store %arg4[%swap3A_99, %swap3A_100, %swap3A_101], %broadcast_in_dim3A_98 {strides = array<i32>} : memref<1x1x576xi32, #tpu.memory_space<vmem>>, vector<1x1x576xi32>,
      %get3A_103 = arith.constant 0 : index
      %get3A_104 = arith.constant 0 : index
      %get3A_105 = vector.load %arg11[%get3A_103, %get3A_104] : memref<1x576xi32, #tpu.memory_space<vmem>>, vector<1x576xi32>
      %transpose3A = tpu.transpose %get3A_105, [1, 0] : vector<1x576xi32> -> vector<576x1xi32>
      %swap3A_106 = arith.constant 0 : index
      %swap3A_107 = arith.constant 0 : index
      %swap3A_108 = vector.load %arg12[%swap3A_106, %swap3A_107] : memref<576x1xi32, #tpu.memory_space<vmem>>, vector<576x1xi32>
      tpu.vector_store %arg12[%swap3A_106, %swap3A_107], %transpose3A {strides = array<i32>} : memref<576x1xi32, #tpu.memory_space<vmem>>, vector<576x1xi32>,
    } else {
    }
    %eq3A_87 = arith.constant 8 : i32
    %eq3A_88 = arith.cmpi eq, %arg0, %eq3A_87 : i32
    %eq3A_89 = arith.constant 7 : i32
    %eq3A_90 = arith.cmpi eq, %arg1, %eq3A_89 : i32
    %and3A_91 = arith.andi %eq3A_88, %eq3A_90 : i1
    %convert_element_type3A_92 = arith.extui %and3A_91 : i1 to i32
    %cond3A_93 = arith.constant 0 : i32
    %cond3A_94 = arith.cmpi ne, %convert_element_type3A_92, %cond3A_93 : i32
    scf.if %cond3A_94 {
      %get3A_95 = arith.constant 0 : index
      %get3A_96 = arith.constant 0 : index
      %get3A_97 = vector.load %arg13[%get3A_95, %get3A_96] : memref<8x1024xf32, #tpu.memory_space<vmem>>, vector<8x1024xf32>
      %div3A = arith.constant 4.608000e+03 : f32
      %div3A_98 = vector.broadcast %div3A : f32 to vector<8x1024xf32>
      %div3A_99 = arith.divf %get3A_97, %div3A_98 : vector<8x1024xf32>
      %add3A_100 = arith.constant 1.000000e-10 : f32
      %add3A_101 = vector.broadcast %add3A_100 : f32 to vector<8x1024xf32>
      %add3A_102 = arith.addf %div3A_99, %add3A_101 : vector<8x1024xf32>
      %log3A = math.log %add3A_102 : vector<8x1024xf32>
      %mul3A_103 = arith.mulf %div3A_99, %log3A : vector<8x1024xf32>
      %reduce_sum3A_104 = vector.shape_cast %mul3A_103 : vector<8x1024xf32> to vector<1x8x1024xf32>
      %reduce_sum3A_105 = arith.constant dense<0.000000e+00> : vector<1xf32>
      %reduce_sum3A_106 = vector.multi_reduction <add>, %reduce_sum3A_104, %reduce_sum3A_105 [1, 2] : vector<1x8x1024xf32> to vector<1xf32>
      %reduce_sum3A_107 = vector.shape_cast %reduce_sum3A_106 : vector<1xf32> to vector<1x1x1xf32>
      %reduce_sum3A_108 = vector.extract %reduce_sum3A_107[0, 0, 0] : f32 from vector<1x1x1xf32>
      %broadcast_in_dim3A_109 = vector.broadcast %reduce_sum3A_108 : f32 to vector<1x1xf32>
      %neg3A = arith.constant 0.000000e+00 : f32
      %neg3A_110 = vector.broadcast %neg3A : f32 to vector<1x1xf32>
      %neg3A_111 = arith.subf %neg3A_110, %broadcast_in_dim3A_109 : vector<1x1xf32>
      %exp3A = math.exp %neg3A_111 : vector<1x1xf32>
      %swap3A_112 = arith.constant 0 : index
      %swap3A_113 = arith.constant 0 : index
      %swap3A_114 = vector.load %arg7[%swap3A_112, %swap3A_113] : memref<1x1xf32, #tpu.memory_space<vmem>>, vector<1x1xf32>
      tpu.vector_store %arg7[%swap3A_112, %swap3A_113], %exp3A {strides = array<i32>} : memref<1x1xf32, #tpu.memory_space<vmem>>, vector<1x1xf32>,
    } else {
    }
    return
  }
  func.func @transform_0(%arg0: i32, %arg1: i32) -> (i32, i32, i32) {
    %min3A = arith.constant 7 : i32
    %min3A_0 = arith.minsi %arg0, %min3A : i32
    %c0_i32 = arith.constant 0 : i32
    %c0_i32_1 = arith.constant 0 : i32
    %c0_i32_2 = arith.constant 0 : i32
    return %min3A_0, %c0_i32, %c0_i32_1 : i32, i32, i32
  }
  func.func @transform_1(%arg0: i32, %arg1: i32) -> (i32, i32) {
    %c0_i32 = arith.constant 0 : i32
    %c0_i32_0 = arith.constant 0 : i32
    %c0_i32_1 = arith.constant 0 : i32
    return %c0_i32, %c0_i32_0 : i32, i32
  }
  func.func @transform_2(%arg0: i32, %arg1: i32) -> (i32, i32, i32) {
    %min3A = arith.constant 7 : i32
    %min3A_0 = arith.minsi %arg0, %min3A : i32
    %c0_i32 = arith.constant 0 : i32
    %c0_i32_1 = arith.constant 0 : i32
    %c0_i32_2 = arith.constant 0 : i32
    return %min3A_0, %c0_i32, %c0_i32_1 : i32, i32, i32
  }
  func.func @transform_3(%arg0: i32, %arg1: i32) -> (i32, i32) {
    %sub3A = arith.constant 1 : i32
    %sub3A_0 = arith.subi %arg0, %sub3A : i32
    %max3A = arith.constant 0 : i32
    %max3A_1 = arith.maxsi %sub3A_0, %max3A : i32
    %eq3A = arith.constant 0 : i32
    %eq3A_2 = arith.cmpi eq, %arg0, %eq3A : i32
    %jit3A = arith.constant 0 : i32
    %select_n3A = arith.select %eq3A_2, %jit3A, %arg1 : i32
    %c0_i32 = arith.constant 0 : i32
    return %max3A_1, %select_n3A : i32, i32
  }
  func.func @transform_4(%arg0: i32, %arg1: i32) -> (i32, i32) {
    %eq3A = arith.constant 0 : i32
    %eq3A_0 = arith.cmpi eq, %arg0, %eq3A : i32
    %jit3A = arith.constant 7 : i32
    %select_n3A = arith.select %eq3A_0, %arg1, %jit3A : i32
    %c0_i32 = arith.constant 0 : i32
    %c0_i32_1 = arith.constant 0 : i32
    return %select_n3A, %c0_i32 : i32, i32
  }
  func.func @transform_5(%arg0: i32, %arg1: i32) -> (i32, i32) {
    %c0_i32 = arith.constant 0 : i32
    %c0_i32_0 = arith.constant 0 : i32
    %c0_i32_1 = arith.constant 0 : i32
    return %c0_i32, %c0_i32_0 : i32, i32
  }
}

</mosaic_0001>

<sc_bundles>
// kernel: kernel.4.cloned.1.call-start
scs
__scs_entry_jumppad:
0x0: {  	(pc) =	sbr.rel $0x88, $3  }
0x1: {  	(tag) =	ssettag $0x0;
	lr =	simm.s32 $0x1  }
0x2: {  	[smem:$0x3F9F] =	sst lr;
	_ =	strace $0xD0000000  }
0x3: {  	_ = 	snop  }
0x4: {  	_ = 	snop  }
0x5: {  	_ = 	snop  }
0x6: {  	_ = 	snop  }
0x7: {  	_ = 	snop  }
__scs_overlays_trampoline_lowered:
0x8: {  	[smem:$0x3FAE] =	sst s0  }
0x9: {  	[smem:$0x3FAF] =	sst s1  }
0xa: {  	[smem:$0x3FB0] =	sst s2  }
0xb: {  	[smem:$0x3FB1] =	sst s3  }
0xc: {  	[smem:$0x3FB2] =	sst s4  }
0xd: {  	[smem:$0x3FB3] =	sst s5  }
0xe: {  	[smem:$0x3FB4] =	sst s6  }
0xf: {  	[smem:$0x3FB5] =	sst s7  }
0x10: {  	[smem:$0x3FB6] =	sst s8  }
0x11: {  	[smem:$0x3FB7] =	sst s9;
	s0 =	simm.s32 @!p0 $0x0  }
0x12: {  	s1 =	sld [smem:$0x3F9D];
	s0 =	simm.s32 @p0 $0x1  }
0x13: {  	[smem:$0x3FB8] =	sst s0;
	s0 =	simm.s32 @!p1 $0x0  }
0x14: {  	s2 =	sld [smem:$0x3F9C];
	s0 =	simm.s32 @p1 $0x1  }
0x15: {  	[smem:$0x3FB9] =	sst s0;
	s0 =	simm.s32 @!p2 $0x0  }
0x16: {  	s3 =	sld [smem:$0x3FDB];
	s0 =	simm.s32 @p2 $0x1  }
0x17: {  	s4 =	simm.s32 $0x1BF5;
	[smem:$0x3FBB] =	sst s0  }
0x18: {  	s0 =	sld [smem:$0x3F9E];
	_ =	swait.ge [sflag:s4], $0x0  }
0x19: {  	s7 =	sld [smem:$0x3F9F]  }
0x1a: {  	s8 =	sadd.s32 $0xFFFFE003, lr  }
0x1b: {  	s9 =	sadd.s32 $0xFFFFFEF7, lr;
	s5 =	simm.s32 $0xFFFFFFFF;
	p2 =	slt.u32 s8, $0xFFFFF086  }
0x1c: {  	p1 =	slt.u32 s9, $0xF7A;
	s5 =	simm.s32 @!p2 $0x0  }
0x1d: {  	s5 =	simm.s32 @p1 $0x1;
	p0 =	seq.s32 s7, s2  }
0x1e: {  	s7 =	smul.u32 @!p0 $0xF7A, s2;
	p2 =	seq.s32 @!p0 s5, $0x0  }
0x1f: {  	s9 =	smul.u32 $0xF7A, s1;
	s8 =	simm.s32 @!p0 $0x1BF5;
	p2 =	por !p2, p0  }
0x20: {  	[sflag:s8] =	ssyncset.s32 @!p0 $0xFFFFF086;
	s6 =	sadd.s32 @!p0 s3, s7;
	s7 =	simm.s32 @!p0 $0x108  }
0x21: {  	s3 =	sadd.s32 s3, s9;
	s6 =	sadd.s32 @!p0 $0x88, s6;
	s7 =	simm.s32 @p2 $0x1082  }
0x22: {  	[simem:s7], [sflag:s8] =	dma.local @!p0 [hbm:s6], $0xF7A  }
0x23: {  	s9 =	sor.u32 $0xD0000000, s2;
	s6 =	simm.s32 $0x108;
	_ =	swait.ge @!p0 [sflag:s8], $0x0  }
0x24: {  	s3 =	sadd.s32 $0x88, s3;
	s6 =	simm.s32 @!p1 $0x1082;
	[sflag:s4] =	ssyncset.s32 $0xFFFFF086  }
0x25: {  	[simem:s6], [sflag:s4] =	dma.local [hbm:s3], $0xF7A  }
0x26: {  	[smem:$0x3F9F] =	sst s1;
	(tag) =	ssettag s2;
	_ =	strace s9  }
0x27: {  	s1 =	sld [smem:$0x3FAF]  }
0x28: {  	s2 =	sld [smem:$0x3FB0]  }
0x29: {  	s4 =	sld [smem:$0x3FB2]  }
0x2a: {  	p0 =	seq.s32 s5, $0x0;
	s5 =	sld [smem:$0x3FB3]  }
0x2b: {  	s6 =	sld [smem:$0x3FB4]  }
0x2c: {  	s7 =	sld [smem:$0x3FB5]  }
0x2d: {  	s3 =	simm.s32 $0x108;
	s8 =	sld [smem:$0x3FB6]  }
0x2e: {  	s3 =	simm.s32 @!p0 $0x1082;
	s9 =	sld [smem:$0x3FB7]  }
0x2f: {  	lr =	sadd.s32 s0, s3;
	s0 =	sld [smem:$0x3FAE]  }
0x30: {  	s3 =	sld [smem:$0x3FB1]  }
0x31: {  	[smem:$0x3FBA] =	sst s10  }
0x32: {  	s10 =	sld [smem:$0x3FB8];
	_ =	sdelay $0x3  }
0x33: {  	p0 =	seq.s32 s10, $0x1;
	s10 =	sld [smem:$0x3FBA];
	_ =	sdelay $0x3  }
0x34: {  	[smem:$0x3FBA] =	sst s10  }
0x35: {  	s10 =	sld [smem:$0x3FB9];
	_ =	sdelay $0x3  }
0x36: {  	p1 =	seq.s32 s10, $0x1;
	s10 =	sld [smem:$0x3FBA];
	_ =	sdelay $0x3  }
0x37: {  	[smem:$0x3FBA] =	sst s10  }
0x38: {  	s10 =	sld [smem:$0x3FBB]  }
0x39: {  	_ = 	snop;
	(pc) =	sbr.ind lr, $3  }
0x3a: {  	_ = 	snop  }
0x3b: {  	_ = 	snop  }
0x3c: {  	p2 =	seq.s32 s10, $0x1;
	s10 =	sld [smem:$0x3FBA]  }
0x3d: {  	_ =	shalt  }
0x3e: {  	_ =	shalt  }
0x3f: {  	_ =	shalt  }
0x40: {  	_ =	shalt  }
0x41: {  	_ =	shalt  }
0x42: {  	_ =	shalt  }
0x43: {  	_ =	shalt  }
0x44: {  	_ =	shalt  }
0x45: {  	_ =	shalt  }
0x46: {  	_ =	shalt  }
0x47: {  	_ =	shalt  }
0x48: {  	_ =	shalt  }
0x49: {  	_ =	shalt  }
0x4a: {  	_ =	shalt  }
0x4b: {  	_ =	shalt  }
0x4c: {  	_ =	shalt  }
0x4d: {  	_ =	shalt  }
0x4e: {  	_ =	shalt  }
0x4f: {  	_ =	shalt  }
0x50: {  	_ =	shalt  }
0x51: {  	_ =	shalt  }
0x52: {  	_ =	shalt  }
0x53: {  	_ =	shalt  }
0x54: {  	_ =	shalt  }
0x55: {  	_ =	shalt  }
0x56: {  	_ =	shalt  }
0x57: {  	_ =	shalt  }
0x58: {  	_ =	shalt  }
0x59: {  	_ =	shalt  }
0x5a: {  	_ =	shalt  }
0x5b: {  	_ =	shalt  }
0x5c: {  	_ =	shalt  }
0x5d: {  	_ =	shalt  }
0x5e: {  	_ =	shalt  }
0x5f: {  	_ =	shalt  }
0x60: {  	_ =	shalt  }
0x61: {  	_ =	shalt  }
0x62: {  	_ =	shalt  }
0x63: {  	_ =	shalt  }
0x64: {  	_ =	shalt  }
0x65: {  	_ =	shalt  }
0x66: {  	_ =	shalt  }
0x67: {  	_ =	shalt  }
0x68: {  	_ =	shalt  }
0x69: {  	_ =	shalt  }
0x6a: {  	_ =	shalt  }
0x6b: {  	_ =	shalt  }
0x6c: {  	_ =	shalt  }
0x6d: {  	_ =	shalt  }
0x6e: {  	_ =	shalt  }
0x6f: {  	_ =	shalt  }
0x70: {  	_ =	shalt  }
0x71: {  	_ =	shalt  }
0x72: {  	_ =	shalt  }
0x73: {  	_ =	shalt  }
0x74: {  	_ =	shalt  }
0x75: {  	_ =	shalt  }
0x76: {  	_ =	shalt  }
0x77: {  	_ =	shalt  }
0x78: {  	_ =	shalt  }
0x79: {  	_ =	shalt  }
0x7a: {  	_ =	shalt  }
0x7b: {  	_ =	shalt  }
0x7c: {  	_ =	shalt  }
0x7d: {  	_ =	shalt  }
0x7e: {  	_ =	shalt  }
0x7f: {  	_ =	shalt  }
0x80: {  	_ =	shalt  }
0x81: {  	_ =	shalt  }
0x82: {  	_ =	shalt  }
0x83: {  	_ =	shalt  }
0x84: {  	_ =	shalt  }
0x85: {  	_ =	shalt  }
0x86: {  	_ =	shalt  }
0x87: {  	_ =	shalt  }
.Lfunc_end0:
.L_simem_size_0:
called_computation_lowered:
.L_overlay_start_0:
0x88: {  	s2 =	sld [smem:$0x3FD9]  }
0x89: {  	s3 =	sld [smem:$0x3FFE];
	_ =	sdelay $0x1  }
0x8a: {  	s1 =	srdreg.scid  }
0x8b: {  	s0 =	sand.u32 $0x1, s1  }
0x8c: {  	s14 =	sshll.u32 s0, $0xA;
	s2 =	sadd.s32 s3, s2  }
0x8d: {  	s2 =	sadd.s32 s2, s14  }
0x8e: {  	[smem:$0x3FC6] =	sst s2  }
0x8f: {  	_ = 	snop  }
0x90: {  	s2 =	sld [smem:$0x3FD0];
	_ =	sdelay $0x2  }
0x91: {  	s15 =	simm.s32 $0xA;
	s4 =	simm.s32 $0x10  }
0x92: {  	[smem:s4], [sflag:s15] =	dma.local [hbm:s2], $0x1  }
0x93: {  	_ =	swait.eq [sflag:s15], $0x1  }
0x94: {  	[sflag:s15] =	ssyncset.done $0x0  }
0x95: {  	[sflag:s15] =	ssyncadd.s32 $0xFFFFFFFF  }
0x96: {  	s16 =	sld [smem:$0x10];
	(tm) =	ssettm $0x1  }
0x97: {  	s17 =	sld [smem:$0x3FFB];
	_ =	sdelay $0x3  }
0x98: {  	_ =	strace s17  }
0x99: {  	s3 =	sld [smem:$0x3FFC];
	_ =	sdelay $0x3  }
0x9a: {  	_ =	strace s3  }
0x9b: {  	s3 =	sld [smem:$0x3FFD];
	_ =	sdelay $0x3  }
0x9c: {  	_ =	strace s3  }
0x9d: {  	_ =	strace $0x8FFFFFFF  }
0x9e: {  	s18 =	sld [smem:$0x3FDB];
	_ =	sdelay $0x1  }
0x9f: {  	s19 =	simm.s32 $_scs_section_size  }
0xa0: {  	s5 =	simm.s32 $_size__tile_overlayer_lowered;
	s6 =	simm.s32 $_tile_overlayer_lowered  }
0xa1: {  	s22 =	simm.s32 $0x1BFF;
	s21 =	sshll.u32 s6, $0x1;
	s3 =	sadd.s32 s19, s18  }
0xa2: {  	s7 =	simm.s32 $0x0;
	s20 =	sshll.u32 s5, $0x1;
	s5 =	sadd.s32 s21, s3  }
0xa3: {  	[timem:s7], [sflag:s22] =	dma.local [hbm:s5], s20  }
0xa4: {  	_ =	swait.ge [sflag:s22], s20  }
0xa5: {  	s4 =	ssub.s32 $0x0, s20;
	[sflag:s22] =	ssyncset.done $0x0  }
0xa6: {  	[sflag:s22] =	ssyncadd.s32 s4;
	_ =	sdelay $0x1  }
0xa7: {  	s23 =	simm.s32 $0x1B8B  }
0xa8: {  	_ =	swait.ge [sflag:s23], $0x1  }
0xa9: {  	[sflag:s23] =	ssyncset.done $0x0  }
0xaa: {  	s25 =	simm.s32 $0x1B8E;
	s24 =	sld [smem:$0x3FFE];
	[sflag:s23] =	ssyncadd.s32 $0xFFFFFFFF  }
0xab: {  	s26 =	simm.s32 $execute0_lowered;
	[smem:$0x3FD2] =	sst s25  }
0xac: {  	s5 =	sshll.u32 s26, $0x1;
	_ =	strace $0x80000046;
	[dreg:$0x1] =	wrdreg $0xFFFFFFFF  }
0xad: {  	s28 =	simm.s32 $_size_execute0_lowered;
	s3 =	sadd.s32 s3, s5;
	[dreg:$0x0] =	wrdreg $0x0  }
0xae: {  	s5 =	sshll.u32 s28, $0x1;
	[dreg:$0x2] =	wrdreg s3  }
0xaf: {  	[dreg:$0x3] =	wrdreg s5  }
0xb0: {  	[dreg:$0x4] =	wrdreg $0xC0  }
0xb1: {  	_ =	task [dreg:s7], $0x5FFFF  }
0xb2: {  	[dreg:$0x1] =	wrdreg $0xFFFFFFFF  }
0xb3: {  	[dreg:$0x0] =	wrdreg $0x60  }
0xb4: {  	[dreg:$0x2] =	wrdreg s24  }
0xb5: {  	[dreg:$0x3] =	wrdreg s16  }
0xb6: {  	[dreg:$0x4] =	wrdreg $0x9  }
0xb7: {  	_ =	task.clear_ibuf [dreg:s7], $0x5FFFF;
	_ =	strace $0x90000046  }
0xb8: {  	s29 =	simm.s32 $0x9;
	_ =	strace $0x80000048  }
0xb9: {  	_ =	swait.ge [sflag:s29], $0x1  }
0xba: {  	[sflag:s29] =	ssyncadd.s32 $0xFFFFFFFF  }
0xbb: {  	_ =	strace $0x90000048  }
0xbc: {  	_ =	sfence  }
0xbd: {  	s30 =	sld [smem:$0x0];
	_ =	sdelay $0x2  }
0xbe: {  	s31 =	sshll.u32 s1, $0xD;
	s1 =	sshrl.u32 s1, $0x2  }
0xbf: {  	s3 =	sand.u32 $0x4000, s31;
	s1 =	sadd.s32 s1, s30  }
0xc0: {  	s0 =	sor.u32 s3, s0;
	s1 =	sshll.u32 s1, $0x11  }
0xc1: {  	s0 =	sor.u32 s1, s0  }
0xc2: {  	s0 =	sadd.s32 $0x8F2B, s0  }
0xc3: {  	[sflag:s0] =	ssyncadd.remote.s32 $0x1  }
0xc4: {  	_ =	sfence.sel $0xFFFF  }
0xc5: {  	[dreg:$0x0] =	wrdreg $0xFFFFFFFF;
	(pc) =	sbr.abs _section_cstart, $3  }
0xc6: {  	[dreg:$0x1] =	wrdreg $0xFFFFFFFF  }
0xc7: {  	_ =	task.clear_ibuf [dreg:s7], $0x2FFFF;
	_ =	strace $0x9FFFFFFF  }
0xc8: {  	(tm) =	ssettm $0x7FFFFFFF  }
0xc9: {  	_ =	shalt  }
tec
execute0_lowered:
.L_overlay_start_1:
0x0: {  	(tag) =	ssettag $0x1  }
0x1: {  	s11 =	rddreg [dreg:$0x0]  }
0x2: {  	s1 =	srdreg.scid;
	s0 =	stileid.u32  }
0x3: {  	s3 =	rddreg [dreg:$0x1];
	s12 =	sand.u32 $0x1, s1;
	s4 =	sshll.u32 s0, $0x1  }
0x4: {  	s2 =	simm.s32 $0x0;
	s1 =	rddreg [dreg:$0x2];
	s13 =	sor.u32 s12, s4  }
0x5: {  	[smem:$0x7FF] =	sst s2;
	s4 =	sshll.u32 s13, $0x5  }
0x6: {  	_ =	strace $0x80000047;
	s4 =	sadd.s32 s3, s4;
	s3 =	simm.s32 $0x2  }
0x7: {  	[tilespmem:s2], [sflag:$0x2] =	stream.linear.gather [hbm4b:s4+s2], $0x100, $0x38;
	[tilespmem:$0x4900] =	vst v63  }
0x8: {  	_ =	swait.ge [sflag:s3], $0x100  }
0x9: {  	s6 =	simm.s32 $0x48;
	s7 =	simm.s32 $0x100;
	[sflag:s3] =	ssyncset.done $0x0  }
0xa: {  	s8 =	simm.s32 $0x80;
	s5 =	sadd.s32 $0x600, s11;
	[sflag:s3] =	ssyncadd.s32 $0xFFFFFF00  }
0xb: {  	[tilespmem:s7], [sflag:$0x1] =	stream.indirect.gather [hbm4b:s5+s6], $0x80, s2, s6, $0xb8;
	[tilespmem:$0x4900] =	vst v63  }
0xc: {  	s9 =	simm.s32 $0x2500;
	s10 =	simm.s32 $0x1;
	s12 =	ssub.s32 $0x2, s12  }
0xd: {  	[tilespmem:s9], [sflag:$0x1] =	stream.indirect.gather [hbm4b:s5+s6], $0x80, s8, s6, $0xb8;
	[tilespmem:$0x4900] =	vst v63  }
0xe: {  	s14 =	sshrl.u32 s12, $0x1;
	_ =	swait.ge [sflag:s10], $0x2400  }
0xf: {  	s12 =	ssub.s32 s12, s14;
	[sflag:s10] =	ssyncset.done $0x0  }
0x10: {  	s13 =	smul.u32 $0x900, s13;
	s12 =	smax.u32 s12, $0x1;
	[sflag:s10] =	ssyncadd.s32 $0xFFFFDC00  }
0x11: {  	p0 =	sne.s32 s12, $0x1;
	_ =	swait.ge [sflag:s10], $0x2400  }
.Ltmp0:
0x12: {  	s11 =	sadd.s32 s13, s11;
	[sflag:s10] =	ssyncset.done $0x0;
	(pc) =	sbr.rel @!p0 .LBB2_2-.Ltmp0, $4  }
0x13: {  	s11 =	sadd.s32 $0x20600, s11;
	[sflag:s10] =	ssyncadd.s32 $0xFFFFDC00  }
0x14: {  	[hbm4b:s11+s2] =	stream.linear.scatter [tilespmem:s7], [sflag:$0x2], $0x4800, $0x38;
	[tilespmem:$0x4900] =	vst v63  }
0x15: {  	_ =	swait.ge [sflag:s3], $0x4800  }
0x16: {  	s12 =	sadd.s32 $0xFFFFFFFF, s12;
	[sflag:s3] =	ssyncset.done $0x0  }
.LBB2_1:
0x17: {  	p0 =	sne.s32 s12, $0x1;
	s12 =	sadd.s32 $0xFFFFFFFF, s12;
	[sflag:s3] =	ssyncadd.s32 $0xFFFFB800  }
0x18: {  	[tilespmem:s2], [sflag:$0x2] =	stream.linear.gather [hbm4b:s4+s2], $0x100, $0x38;
	[tilespmem:$0x4900] =	vst v63  }
0x19: {  	_ =	swait.ge [sflag:s3], $0x100  }
0x1a: {  	[sflag:s3] =	ssyncset.done $0x0  }
0x1b: {  	[sflag:s3] =	ssyncadd.s32 $0xFFFFFF00  }
0x1c: {  	[tilespmem:s7], [sflag:$0x1] =	stream.indirect.gather [hbm4b:s5+s6], $0x80, s2, s6, $0xb8;
	[tilespmem:$0x4900] =	vst v63  }
0x1d: {  	_ = 	snop  }
0x1e: {  	[tilespmem:s9], [sflag:$0x1] =	stream.indirect.gather [hbm4b:s5+s6], $0x80, s8, s6, $0xb8;
	[tilespmem:$0x4900] =	vst v63  }
0x1f: {  	_ =	swait.ge [sflag:s10], $0x2400  }
0x20: {  	[sflag:s10] =	ssyncset.done $0x0  }
0x21: {  	[sflag:s10] =	ssyncadd.s32 $0xFFFFDC00  }
0x22: {  	_ =	swait.ge [sflag:s10], $0x2400  }
.Ltmp1:
0x23: {  	[sflag:s10] =	ssyncset.done $0x0;
	(pc) =	sbr.rel @p0 .LBB2_1-.Ltmp1, $4  }
0x24: {  	[sflag:s10] =	ssyncadd.s32 $0xFFFFDC00  }
0x25: {  	[hbm4b:s11+s2] =	stream.linear.scatter [tilespmem:s7], [sflag:$0x2], $0x4800, $0x38;
	[tilespmem:$0x4900] =	vst v63  }
0x26: {  	_ =	swait.ge [sflag:s3], $0x4800  }
0x27: {  	[sflag:s3] =	ssyncset.done $0x0  }
.LBB2_2:
0x28: {  	[sflag:s3] =	ssyncadd.s32 $0xFFFFB800  }
0x29: {  	_ =	sfence.sel $0x180000  }
0x2a: {  	[bflag:$0x0] =	sbarrier.arrive $0xFFFF  }
0x2b: {  	p0 =	sne.s32 s0, $0x0;
	_ =	strace $0x90000047  }
0x2c: {  	s0 =	sadd.s32 @!p0 $0x100000, s1;
	[bflag:$0x2] =	sbarrier.arrive $0xFFFF  }
0x2d: {  	[sflag:s0] =	ssyncadd.tile.s32 @!p0 $0x1;
	_ =	shalt  }
.Lfunc_end2:
_tile_overlayer_lowered:
.L_overlay_start_2:
0x2e: {  	(tag) =	ssettag $0x2  }
0x2f: {  	s0 =	rddreg [dreg:$0x0];
	s2 =	stileid.u32  }
0x30: {  	s1 =	rddreg [dreg:$0x1];
	p0 =	sne.s32 s2, $0x0  }
0x31: {  	s3 =	rddreg [dreg:$0x2];
	[bflag:$0x3] =	sbarrier.arrive $0xFFFF;
	s2 =	simm.s32 @!p0 $0x1C02  }
0x32: {  	[timem:s3], [sflag:s2] =	dma.local @!p0 [hbm:s0], s1  }
0x33: {  	s0 =	simm.s32 @!p0 $0x2  }
0x34: {  	_ =	swait.ge @!p0 [sflag:s0], s1  }
0x35: {  	s1 =	ssub.s32 @!p0 $0x0, s1;
	[sflag:s0] =	ssyncset.done @!p0 $0x0  }
0x36: {  	[sflag:s0] =	ssyncadd.s32 @!p0 s1  }
0x37: {  	[bflag:$0x3] =	sbarrier.arrive $0xFFFF  }
0x38: {  	_ =	shalt  }

</sc_bundles>
